<compile_context>
chip_gen: v7x
topology: tpu7x:2x2x1
jax: 0.10.2.dev20260603
libtpu: 0.0.44.dev20260713+nightly
codegen_flags: <defaults>
</compile_context>

<pallas_src>
import functools

import jax
import jax.numpy as jnp
from jax import lax
from jax.experimental import pallas as pl
from jax.experimental.pallas import tpu as pltpu
from jax.experimental.pallas import tpu_sc as plsc

ONEHOT = 38
BATCH = 16384

_INFO = plsc.get_sparse_core_info()
NC = _INFO.num_cores
NS = _INFO.num_subcores
LANES = _INFO.num_lanes
NW = NC * NS
CPW = BATCH // NW
NCHUNK = 4
CCOLS = CPW // NCHUNK

_mesh = plsc.VectorSubcoreMesh(core_axis_name="c", subcore_axis_name="s")


@functools.partial(
    pl.kernel,
    mesh=_mesh,
    out_type=jax.ShapeDtypeStruct((ONEHOT, BATCH), jnp.float32),
    scratch_types=[
        pltpu.VMEM((CPW,), jnp.int32),
        pltpu.VMEM((ONEHOT, CPW), jnp.float32),
        pltpu.SemaphoreType.DMA,
    ],
    compiler_params=pltpu.CompilerParams(needs_layout_passes=False),
)
def _onehot_sc(idx_hbm, out_hbm, idx_v, blk_v, sem):
    wid = lax.axis_index("s") * NC + lax.axis_index("c")
    base = wid * CPW

    pltpu.sync_copy(idx_hbm.at[pl.ds(base, CPW)], idx_v)

    zeros = jnp.zeros((LANES,), jnp.float32)
    ones = jnp.ones((LANES,), jnp.float32)
    lane = lax.iota(jnp.int32, LANES)

    copies = []
    for k in range(NCHUNK):
        def zero_body(r, carry, k=k):
            for c in range(CCOLS // LANES):
                blk_v[r, pl.ds(k * CCOLS + c * LANES, LANES)] = zeros
            return carry

        lax.fori_loop(0, ONEHOT, zero_body, 0)

        def scatter_body(g, carry, k=k):
            c0 = k * CCOLS + g * LANES
            rows = idx_v[pl.ds(c0, LANES)]
            cols = c0 + lane
            plsc.store_scatter(blk_v, [rows, cols], ones)
            return carry

        lax.fori_loop(0, CCOLS // LANES, scatter_body, 0)

        copies.append(
            pltpu.async_copy(
                blk_v.at[:, pl.ds(k * CCOLS, CCOLS)],
                out_hbm.at[:, pl.ds(base + k * CCOLS, CCOLS)],
                sem,
            )
        )
    for c in copies:
        c.wait()


def kernel(input_char):
    return _onehot_sc(input_char.astype(jnp.int32)).T

# --- scband reference (transcript-rebuilt; emitter-appended) ---
"""Pipeline reference for scband-my-model-61933428416261 (READ-ONLY COPY).

The authoritative reference and input builder live on the scoring server;
editing this copy changes nothing except your own understanding.
"""

import jax, jax.numpy as jnp
import numpy as np

ONEHOT_DIM = 38
BATCH = 16384

def setup_inputs(seed: int = 0) -> dict:
    key = jax.random.key(seed)
    input_char = jax.random.randint(key, (BATCH,), 0, ONEHOT_DIM, dtype=jnp.int64 if jax.config.jax_enable_x64 else jnp.int32)
    return {"input_char": input_char}

def reference(input_char) -> jnp.ndarray:
    # Faithful to torch: zeros(B, onehot_dim).scatter_(1, input_char.unsqueeze(1), 1)
    batch_size = input_char.shape[0]
    one_hot = jnp.zeros((batch_size, ONEHOT_DIM), dtype=jnp.float32)
    rows = jnp.arange(batch_size)
    one_hot = one_hot.at[rows, input_char].set(1.0)
    return one_hot

if __name__ == "__main__":
    import jax
    _d = setup_inputs()
    print(jax.jit(kernel)(*tuple(_d.values())))

</pallas_src>

<mosaic_0001>
#map = affine_map<(d0, d1) -> (0)>
#map1 = affine_map<(d0, d1) -> (0, 0)>
module attributes {stable_mosaic.version = 14 : i64} {
  func.func @_onehot_sc(%arg0: i32, %arg1: i32, %arg2: memref<16384xi32, #tpu.memory_space<hbm>>, %arg3: memref<38x16384xf32, #tpu.memory_space<hbm>>, %arg4: memref<512xi32, #tpu.memory_space<vmem>>, %arg5: memref<38x512xf32, #tpu.memory_space<vmem>>, %arg6: memref<!tpu.dma_semaphore, #tpu.memory_space<semaphore_mem>>) attributes {dimension_semantics = [#tpu.dimension_semantics<core_parallel>, #tpu.dimension_semantics<subcore_parallel>], iteration_bounds = array<i64: 2, 16>, scalar_prefetch = 0 : i64, scratch_operands = 3 : i64, tpu.core_type = #tpu.core_type<sc_vector_subcore>, window_params = [{transform_indices = #map}, {transform_indices = #map1}]} {
    %mul3A = arith.constant 2 : i32
    %mul3A_0 = arith.muli %arg1, %mul3A : i32
    %add3A = arith.addi %mul3A_0, %arg0 : i32
    %mul3A_1 = arith.constant 512 : i32
    %mul3A_2 = arith.muli %add3A, %mul3A_1 : i32
    "tpu.region"() ({
      %run_scoped3A = tpu.sem_alloc : memref<!tpu.dma_semaphore, #tpu.memory_space<semaphore_mem>>
      %dma_start3A_139 = tpu.memref_slice %arg2[%mul3A_2] : memref<16384xi32, #tpu.memory_space<hbm>> -> memref<512xi32, #tpu.memory_space<hbm>>
      %dma_start3A_140 = tpu.memref_slice %arg2[%mul3A_2] : memref<16384xi32, #tpu.memory_space<hbm>> -> memref<512xi32, #tpu.memory_space<hbm>>
      tpu.enqueue_dma source(%dma_start3A_140 : memref<512xi32, #tpu.memory_space<hbm>>) target(%arg4 : memref<512xi32, #tpu.memory_space<vmem>>) target_semaphore(%run_scoped3A : memref<!tpu.dma_semaphore, #tpu.memory_space<semaphore_mem>>)
      %dma_wait3A_141 = tpu.memref_slice %arg2[%mul3A_2] : memref<16384xi32, #tpu.memory_space<hbm>> -> memref<512xi32, #tpu.memory_space<hbm>>
      %dma_wait3A_142 = tpu.memref_slice %arg2[%mul3A_2] : memref<16384xi32, #tpu.memory_space<hbm>> -> memref<512xi32, #tpu.memory_space<hbm>>
      tpu.wait_dma2 semaphore(%run_scoped3A : memref<!tpu.dma_semaphore, #tpu.memory_space<semaphore_mem>>) src(%dma_wait3A_142 : memref<512xi32, #tpu.memory_space<hbm>>) dst(%arg4 : memref<512xi32, #tpu.memory_space<vmem>>)
      tpu.yield
    }) : () -> ()
    %broadcast_in_dim3A = arith.constant 0.000000e+00 : f32
    %broadcast_in_dim3A_3 = vector.broadcast %broadcast_in_dim3A : f32 to vector<16xf32>
    %broadcast_in_dim3A_4 = arith.constant 1.000000e+00 : f32
    %broadcast_in_dim3A_5 = vector.broadcast %broadcast_in_dim3A_4 : f32 to vector<16xf32>
    %iota3A = tpu.iota {dimensions = array<i32: 0>} : vector<16xi32>
    %scan3A = arith.constant 0 : i32
    %scan3A_6 = arith.constant 0 : i32
    %scan3A_7 = arith.constant 38 : i32
    %scan3A_8 = arith.addi %scan3A_6, %scan3A_7 : i32
    %scan3A_9 = arith.constant 1 : i32
    scf.for %scan3A_139 = %scan3A_6 to %scan3A_8 step %scan3A_9  : i32 {
      %swap3A = arith.index_cast %scan3A_139 : i32 to index
      %swap3A_140 = arith.constant 0 : index
      %swap3A_141 = tpu.vector_load %arg5[%swap3A, %swap3A_140] {strides = array<i32>} : memref<38x512xf32, #tpu.memory_space<vmem>>, vector<16xf32>,
      tpu.vector_store %arg5[%swap3A, %swap3A_140], %broadcast_in_dim3A_3 {strides = array<i32>} : memref<38x512xf32, #tpu.memory_space<vmem>>, vector<16xf32>,
      %swap3A_142 = arith.index_cast %scan3A_139 : i32 to index
      %swap3A_143 = arith.constant 16 : index
      %swap3A_144 = tpu.vector_load %arg5[%swap3A_142, %swap3A_143] {strides = array<i32>} : memref<38x512xf32, #tpu.memory_space<vmem>>, vector<16xf32>,
      tpu.vector_store %arg5[%swap3A_142, %swap3A_143], %broadcast_in_dim3A_3 {strides = array<i32>} : memref<38x512xf32, #tpu.memory_space<vmem>>, vector<16xf32>,
      %swap3A_145 = arith.index_cast %scan3A_139 : i32 to index
      %swap3A_146 = arith.constant 32 : index
      %swap3A_147 = tpu.vector_load %arg5[%swap3A_145, %swap3A_146] {strides = array<i32>} : memref<38x512xf32, #tpu.memory_space<vmem>>, vector<16xf32>,
      tpu.vector_store %arg5[%swap3A_145, %swap3A_146], %broadcast_in_dim3A_3 {strides = array<i32>} : memref<38x512xf32, #tpu.memory_space<vmem>>, vector<16xf32>,
      %swap3A_148 = arith.index_cast %scan3A_139 : i32 to index
      %swap3A_149 = arith.constant 48 : index
      %swap3A_150 = tpu.vector_load %arg5[%swap3A_148, %swap3A_149] {strides = array<i32>} : memref<38x512xf32, #tpu.memory_space<vmem>>, vector<16xf32>,
      tpu.vector_store %arg5[%swap3A_148, %swap3A_149], %broadcast_in_dim3A_3 {strides = array<i32>} : memref<38x512xf32, #tpu.memory_space<vmem>>, vector<16xf32>,
      %swap3A_151 = arith.index_cast %scan3A_139 : i32 to index
      %swap3A_152 = arith.constant 64 : index
      %swap3A_153 = tpu.vector_load %arg5[%swap3A_151, %swap3A_152] {strides = array<i32>} : memref<38x512xf32, #tpu.memory_space<vmem>>, vector<16xf32>,
      tpu.vector_store %arg5[%swap3A_151, %swap3A_152], %broadcast_in_dim3A_3 {strides = array<i32>} : memref<38x512xf32, #tpu.memory_space<vmem>>, vector<16xf32>,
      %swap3A_154 = arith.index_cast %scan3A_139 : i32 to index
      %swap3A_155 = arith.constant 80 : index
      %swap3A_156 = tpu.vector_load %arg5[%swap3A_154, %swap3A_155] {strides = array<i32>} : memref<38x512xf32, #tpu.memory_space<vmem>>, vector<16xf32>,
      tpu.vector_store %arg5[%swap3A_154, %swap3A_155], %broadcast_in_dim3A_3 {strides = array<i32>} : memref<38x512xf32, #tpu.memory_space<vmem>>, vector<16xf32>,
      %swap3A_157 = arith.index_cast %scan3A_139 : i32 to index
      %swap3A_158 = arith.constant 96 : index
      %swap3A_159 = tpu.vector_load %arg5[%swap3A_157, %swap3A_158] {strides = array<i32>} : memref<38x512xf32, #tpu.memory_space<vmem>>, vector<16xf32>,
      tpu.vector_store %arg5[%swap3A_157, %swap3A_158], %broadcast_in_dim3A_3 {strides = array<i32>} : memref<38x512xf32, #tpu.memory_space<vmem>>, vector<16xf32>,
      %swap3A_160 = arith.index_cast %scan3A_139 : i32 to index
      %swap3A_161 = arith.constant 112 : index
      %swap3A_162 = tpu.vector_load %arg5[%swap3A_160, %swap3A_161] {strides = array<i32>} : memref<38x512xf32, #tpu.memory_space<vmem>>, vector<16xf32>,
      tpu.vector_store %arg5[%swap3A_160, %swap3A_161], %broadcast_in_dim3A_3 {strides = array<i32>} : memref<38x512xf32, #tpu.memory_space<vmem>>, vector<16xf32>,
    }
    %scan3A_10 = arith.constant 38 : i32
    %scan3A_11 = arith.constant 0 : i32
    %scan3A_12 = arith.constant 0 : i32
    %scan3A_13 = arith.constant 8 : i32
    %scan3A_14 = arith.addi %scan3A_12, %scan3A_13 : i32
    %scan3A_15 = arith.constant 1 : i32
    scf.for %scan3A_139 = %scan3A_12 to %scan3A_14 step %scan3A_15  : i32 {
      %mul3A_140 = arith.constant 16 : i32
      %mul3A_141 = arith.muli %scan3A_139, %mul3A_140 : i32
      %add3A_142 = arith.constant 0 : i32
      %add3A_143 = arith.addi %add3A_142, %mul3A_141 : i32
      %get3A = arith.index_cast %add3A_143 : i32 to index
      %get3A_144 = tpu.vector_load %arg4[%get3A] {strides = array<i32>} : memref<512xi32, #tpu.memory_space<vmem>>, vector<16xi32>,
      %add3A_145 = vector.broadcast %add3A_143 : i32 to vector<16xi32>
      %add3A_146 = arith.addi %add3A_145, %iota3A : vector<16xi32>
      tpu.vector_store_idx %arg5[%get3A_144, %add3A_146], %broadcast_in_dim3A_5 : memref<38x512xf32, #tpu.memory_space<vmem>>[vector<16xi32>, vector<16xi32>], vector<16xf32>,
    }
    %scan3A_16 = arith.constant 8 : i32
    %add3A_17 = arith.constant 0 : i32
    %add3A_18 = arith.addi %mul3A_2, %add3A_17 : i32
    %dma_start3A = arith.constant 0 : i32
    %dma_start3A_19 = arith.constant 0 : i32
    %dma_start3A_20 = tpu.memref_slice %arg5[%dma_start3A, %dma_start3A_19] : memref<38x512xf32, #tpu.memory_space<vmem>> -> memref<38x128xf32, #tpu.memory_space<vmem>>
    %dma_start3A_21 = arith.constant 0 : i32
    %dma_start3A_22 = tpu.memref_slice %arg3[%dma_start3A_21, %add3A_18] : memref<38x16384xf32, #tpu.memory_space<hbm>> -> memref<38x128xf32, #tpu.memory_space<hbm>>
    %dma_start3A_23 = arith.constant 0 : i32
    %dma_start3A_24 = tpu.memref_slice %arg3[%dma_start3A_23, %add3A_18] : memref<38x16384xf32, #tpu.memory_space<hbm>> -> memref<38x128xf32, #tpu.memory_space<hbm>>
    %dma_start3A_25 = arith.constant 0 : i32
    %dma_start3A_26 = arith.constant 0 : i32
    %dma_start3A_27 = tpu.memref_slice %arg5[%dma_start3A_25, %dma_start3A_26] : memref<38x512xf32, #tpu.memory_space<vmem>> -> memref<38x128xf32, #tpu.memory_space<vmem>>
    tpu.enqueue_dma source(%dma_start3A_27 : memref<38x128xf32, #tpu.memory_space<vmem>>) target(%dma_start3A_24 : memref<38x128xf32, #tpu.memory_space<hbm>>) target_semaphore(%arg6 : memref<!tpu.dma_semaphore, #tpu.memory_space<semaphore_mem>>)
    %scan3A_28 = arith.constant 0 : i32
    %scan3A_29 = arith.constant 0 : i32
    %scan3A_30 = arith.constant 38 : i32
    %scan3A_31 = arith.addi %scan3A_29, %scan3A_30 : i32
    %scan3A_32 = arith.constant 1 : i32
    scf.for %scan3A_139 = %scan3A_29 to %scan3A_31 step %scan3A_32  : i32 {
      %swap3A = arith.index_cast %scan3A_139 : i32 to index
      %swap3A_140 = arith.constant 128 : index
      %swap3A_141 = tpu.vector_load %arg5[%swap3A, %swap3A_140] {strides = array<i32>} : memref<38x512xf32, #tpu.memory_space<vmem>>, vector<16xf32>,
      tpu.vector_store %arg5[%swap3A, %swap3A_140], %broadcast_in_dim3A_3 {strides = array<i32>} : memref<38x512xf32, #tpu.memory_space<vmem>>, vector<16xf32>,
      %swap3A_142 = arith.index_cast %scan3A_139 : i32 to index
      %swap3A_143 = arith.constant 144 : index
      %swap3A_144 = tpu.vector_load %arg5[%swap3A_142, %swap3A_143] {strides = array<i32>} : memref<38x512xf32, #tpu.memory_space<vmem>>, vector<16xf32>,
      tpu.vector_store %arg5[%swap3A_142, %swap3A_143], %broadcast_in_dim3A_3 {strides = array<i32>} : memref<38x512xf32, #tpu.memory_space<vmem>>, vector<16xf32>,
      %swap3A_145 = arith.index_cast %scan3A_139 : i32 to index
      %swap3A_146 = arith.constant 160 : index
      %swap3A_147 = tpu.vector_load %arg5[%swap3A_145, %swap3A_146] {strides = array<i32>} : memref<38x512xf32, #tpu.memory_space<vmem>>, vector<16xf32>,
      tpu.vector_store %arg5[%swap3A_145, %swap3A_146], %broadcast_in_dim3A_3 {strides = array<i32>} : memref<38x512xf32, #tpu.memory_space<vmem>>, vector<16xf32>,
      %swap3A_148 = arith.index_cast %scan3A_139 : i32 to index
      %swap3A_149 = arith.constant 176 : index
      %swap3A_150 = tpu.vector_load %arg5[%swap3A_148, %swap3A_149] {strides = array<i32>} : memref<38x512xf32, #tpu.memory_space<vmem>>, vector<16xf32>,
      tpu.vector_store %arg5[%swap3A_148, %swap3A_149], %broadcast_in_dim3A_3 {strides = array<i32>} : memref<38x512xf32, #tpu.memory_space<vmem>>, vector<16xf32>,
      %swap3A_151 = arith.index_cast %scan3A_139 : i32 to index
      %swap3A_152 = arith.constant 192 : index
      %swap3A_153 = tpu.vector_load %arg5[%swap3A_151, %swap3A_152] {strides = array<i32>} : memref<38x512xf32, #tpu.memory_space<vmem>>, vector<16xf32>,
      tpu.vector_store %arg5[%swap3A_151, %swap3A_152], %broadcast_in_dim3A_3 {strides = array<i32>} : memref<38x512xf32, #tpu.memory_space<vmem>>, vector<16xf32>,
      %swap3A_154 = arith.index_cast %scan3A_139 : i32 to index
      %swap3A_155 = arith.constant 208 : index
      %swap3A_156 = tpu.vector_load %arg5[%swap3A_154, %swap3A_155] {strides = array<i32>} : memref<38x512xf32, #tpu.memory_space<vmem>>, vector<16xf32>,
      tpu.vector_store %arg5[%swap3A_154, %swap3A_155], %broadcast_in_dim3A_3 {strides = array<i32>} : memref<38x512xf32, #tpu.memory_space<vmem>>, vector<16xf32>,
      %swap3A_157 = arith.index_cast %scan3A_139 : i32 to index
      %swap3A_158 = arith.constant 224 : index
      %swap3A_159 = tpu.vector_load %arg5[%swap3A_157, %swap3A_158] {strides = array<i32>} : memref<38x512xf32, #tpu.memory_space<vmem>>, vector<16xf32>,
      tpu.vector_store %arg5[%swap3A_157, %swap3A_158], %broadcast_in_dim3A_3 {strides = array<i32>} : memref<38x512xf32, #tpu.memory_space<vmem>>, vector<16xf32>,
      %swap3A_160 = arith.index_cast %scan3A_139 : i32 to index
      %swap3A_161 = arith.constant 240 : index
      %swap3A_162 = tpu.vector_load %arg5[%swap3A_160, %swap3A_161] {strides = array<i32>} : memref<38x512xf32, #tpu.memory_space<vmem>>, vector<16xf32>,
      tpu.vector_store %arg5[%swap3A_160, %swap3A_161], %broadcast_in_dim3A_3 {strides = array<i32>} : memref<38x512xf32, #tpu.memory_space<vmem>>, vector<16xf32>,
    }
    %scan3A_33 = arith.constant 38 : i32
    %scan3A_34 = arith.constant 0 : i32
    %scan3A_35 = arith.constant 0 : i32
    %scan3A_36 = arith.constant 8 : i32
    %scan3A_37 = arith.addi %scan3A_35, %scan3A_36 : i32
    %scan3A_38 = arith.constant 1 : i32
    scf.for %scan3A_139 = %scan3A_35 to %scan3A_37 step %scan3A_38  : i32 {
      %mul3A_140 = arith.constant 16 : i32
      %mul3A_141 = arith.muli %scan3A_139, %mul3A_140 : i32
      %add3A_142 = arith.constant 128 : i32
      %add3A_143 = arith.addi %add3A_142, %mul3A_141 : i32
      %get3A = arith.index_cast %add3A_143 : i32 to index
      %get3A_144 = tpu.vector_load %arg4[%get3A] {strides = array<i32>} : memref<512xi32, #tpu.memory_space<vmem>>, vector<16xi32>,
      %add3A_145 = vector.broadcast %add3A_143 : i32 to vector<16xi32>
      %add3A_146 = arith.addi %add3A_145, %iota3A : vector<16xi32>
      tpu.vector_store_idx %arg5[%get3A_144, %add3A_146], %broadcast_in_dim3A_5 : memref<38x512xf32, #tpu.memory_space<vmem>>[vector<16xi32>, vector<16xi32>], vector<16xf32>,
    }
    %scan3A_39 = arith.constant 8 : i32
    %add3A_40 = arith.constant 128 : i32
    %add3A_41 = arith.addi %mul3A_2, %add3A_40 : i32
    %dma_start3A_42 = arith.constant 0 : i32
    %dma_start3A_43 = arith.constant 128 : i32
    %dma_start3A_44 = tpu.memref_slice %arg5[%dma_start3A_42, %dma_start3A_43] : memref<38x512xf32, #tpu.memory_space<vmem>> -> memref<38x128xf32, #tpu.memory_space<vmem>>
    %dma_start3A_45 = arith.constant 0 : i32
    %dma_start3A_46 = tpu.memref_slice %arg3[%dma_start3A_45, %add3A_41] : memref<38x16384xf32, #tpu.memory_space<hbm>> -> memref<38x128xf32, #tpu.memory_space<hbm>>
    %dma_start3A_47 = arith.constant 0 : i32
    %dma_start3A_48 = tpu.memref_slice %arg3[%dma_start3A_47, %add3A_41] : memref<38x16384xf32, #tpu.memory_space<hbm>> -> memref<38x128xf32, #tpu.memory_space<hbm>>
    %dma_start3A_49 = arith.constant 0 : i32
    %dma_start3A_50 = arith.constant 128 : i32
    %dma_start3A_51 = tpu.memref_slice %arg5[%dma_start3A_49, %dma_start3A_50] : memref<38x512xf32, #tpu.memory_space<vmem>> -> memref<38x128xf32, #tpu.memory_space<vmem>>
    tpu.enqueue_dma source(%dma_start3A_51 : memref<38x128xf32, #tpu.memory_space<vmem>>) target(%dma_start3A_48 : memref<38x128xf32, #tpu.memory_space<hbm>>) target_semaphore(%arg6 : memref<!tpu.dma_semaphore, #tpu.memory_space<semaphore_mem>>)
    %scan3A_52 = arith.constant 0 : i32
    %scan3A_53 = arith.constant 0 : i32
    %scan3A_54 = arith.constant 38 : i32
    %scan3A_55 = arith.addi %scan3A_53, %scan3A_54 : i32
    %scan3A_56 = arith.constant 1 : i32
    scf.for %scan3A_139 = %scan3A_53 to %scan3A_55 step %scan3A_56  : i32 {
      %swap3A = arith.index_cast %scan3A_139 : i32 to index
      %swap3A_140 = arith.constant 256 : index
      %swap3A_141 = tpu.vector_load %arg5[%swap3A, %swap3A_140] {strides = array<i32>} : memref<38x512xf32, #tpu.memory_space<vmem>>, vector<16xf32>,
      tpu.vector_store %arg5[%swap3A, %swap3A_140], %broadcast_in_dim3A_3 {strides = array<i32>} : memref<38x512xf32, #tpu.memory_space<vmem>>, vector<16xf32>,
      %swap3A_142 = arith.index_cast %scan3A_139 : i32 to index
      %swap3A_143 = arith.constant 272 : index
      %swap3A_144 = tpu.vector_load %arg5[%swap3A_142, %swap3A_143] {strides = array<i32>} : memref<38x512xf32, #tpu.memory_space<vmem>>, vector<16xf32>,
      tpu.vector_store %arg5[%swap3A_142, %swap3A_143], %broadcast_in_dim3A_3 {strides = array<i32>} : memref<38x512xf32, #tpu.memory_space<vmem>>, vector<16xf32>,
      %swap3A_145 = arith.index_cast %scan3A_139 : i32 to index
      %swap3A_146 = arith.constant 288 : index
      %swap3A_147 = tpu.vector_load %arg5[%swap3A_145, %swap3A_146] {strides = array<i32>} : memref<38x512xf32, #tpu.memory_space<vmem>>, vector<16xf32>,
      tpu.vector_store %arg5[%swap3A_145, %swap3A_146], %broadcast_in_dim3A_3 {strides = array<i32>} : memref<38x512xf32, #tpu.memory_space<vmem>>, vector<16xf32>,
      %swap3A_148 = arith.index_cast %scan3A_139 : i32 to index
      %swap3A_149 = arith.constant 304 : index
      %swap3A_150 = tpu.vector_load %arg5[%swap3A_148, %swap3A_149] {strides = array<i32>} : memref<38x512xf32, #tpu.memory_space<vmem>>, vector<16xf32>,
      tpu.vector_store %arg5[%swap3A_148, %swap3A_149], %broadcast_in_dim3A_3 {strides = array<i32>} : memref<38x512xf32, #tpu.memory_space<vmem>>, vector<16xf32>,
      %swap3A_151 = arith.index_cast %scan3A_139 : i32 to index
      %swap3A_152 = arith.constant 320 : index
      %swap3A_153 = tpu.vector_load %arg5[%swap3A_151, %swap3A_152] {strides = array<i32>} : memref<38x512xf32, #tpu.memory_space<vmem>>, vector<16xf32>,
      tpu.vector_store %arg5[%swap3A_151, %swap3A_152], %broadcast_in_dim3A_3 {strides = array<i32>} : memref<38x512xf32, #tpu.memory_space<vmem>>, vector<16xf32>,
      %swap3A_154 = arith.index_cast %scan3A_139 : i32 to index
      %swap3A_155 = arith.constant 336 : index
      %swap3A_156 = tpu.vector_load %arg5[%swap3A_154, %swap3A_155] {strides = array<i32>} : memref<38x512xf32, #tpu.memory_space<vmem>>, vector<16xf32>,
      tpu.vector_store %arg5[%swap3A_154, %swap3A_155], %broadcast_in_dim3A_3 {strides = array<i32>} : memref<38x512xf32, #tpu.memory_space<vmem>>, vector<16xf32>,
      %swap3A_157 = arith.index_cast %scan3A_139 : i32 to index
      %swap3A_158 = arith.constant 352 : index
      %swap3A_159 = tpu.vector_load %arg5[%swap3A_157, %swap3A_158] {strides = array<i32>} : memref<38x512xf32, #tpu.memory_space<vmem>>, vector<16xf32>,
      tpu.vector_store %arg5[%swap3A_157, %swap3A_158], %broadcast_in_dim3A_3 {strides = array<i32>} : memref<38x512xf32, #tpu.memory_space<vmem>>, vector<16xf32>,
      %swap3A_160 = arith.index_cast %scan3A_139 : i32 to index
      %swap3A_161 = arith.constant 368 : index
      %swap3A_162 = tpu.vector_load %arg5[%swap3A_160, %swap3A_161] {strides = array<i32>} : memref<38x512xf32, #tpu.memory_space<vmem>>, vector<16xf32>,
      tpu.vector_store %arg5[%swap3A_160, %swap3A_161], %broadcast_in_dim3A_3 {strides = array<i32>} : memref<38x512xf32, #tpu.memory_space<vmem>>, vector<16xf32>,
    }
    %scan3A_57 = arith.constant 38 : i32
    %scan3A_58 = arith.constant 0 : i32
    %scan3A_59 = arith.constant 0 : i32
    %scan3A_60 = arith.constant 8 : i32
    %scan3A_61 = arith.addi %scan3A_59, %scan3A_60 : i32
    %scan3A_62 = arith.constant 1 : i32
    scf.for %scan3A_139 = %scan3A_59 to %scan3A_61 step %scan3A_62  : i32 {
      %mul3A_140 = arith.constant 16 : i32
      %mul3A_141 = arith.muli %scan3A_139, %mul3A_140 : i32
      %add3A_142 = arith.constant 256 : i32
      %add3A_143 = arith.addi %add3A_142, %mul3A_141 : i32
      %get3A = arith.index_cast %add3A_143 : i32 to index
      %get3A_144 = tpu.vector_load %arg4[%get3A] {strides = array<i32>} : memref<512xi32, #tpu.memory_space<vmem>>, vector<16xi32>,
      %add3A_145 = vector.broadcast %add3A_143 : i32 to vector<16xi32>
      %add3A_146 = arith.addi %add3A_145, %iota3A : vector<16xi32>
      tpu.vector_store_idx %arg5[%get3A_144, %add3A_146], %broadcast_in_dim3A_5 : memref<38x512xf32, #tpu.memory_space<vmem>>[vector<16xi32>, vector<16xi32>], vector<16xf32>,
    }
    %scan3A_63 = arith.constant 8 : i32
    %add3A_64 = arith.constant 256 : i32
    %add3A_65 = arith.addi %mul3A_2, %add3A_64 : i32
    %dma_start3A_66 = arith.constant 0 : i32
    %dma_start3A_67 = arith.constant 256 : i32
    %dma_start3A_68 = tpu.memref_slice %arg5[%dma_start3A_66, %dma_start3A_67] : memref<38x512xf32, #tpu.memory_space<vmem>> -> memref<38x128xf32, #tpu.memory_space<vmem>>
    %dma_start3A_69 = arith.constant 0 : i32
    %dma_start3A_70 = tpu.memref_slice %arg3[%dma_start3A_69, %add3A_65] : memref<38x16384xf32, #tpu.memory_space<hbm>> -> memref<38x128xf32, #tpu.memory_space<hbm>>
    %dma_start3A_71 = arith.constant 0 : i32
    %dma_start3A_72 = tpu.memref_slice %arg3[%dma_start3A_71, %add3A_65] : memref<38x16384xf32, #tpu.memory_space<hbm>> -> memref<38x128xf32, #tpu.memory_space<hbm>>
    %dma_start3A_73 = arith.constant 0 : i32
    %dma_start3A_74 = arith.constant 256 : i32
    %dma_start3A_75 = tpu.memref_slice %arg5[%dma_start3A_73, %dma_start3A_74] : memref<38x512xf32, #tpu.memory_space<vmem>> -> memref<38x128xf32, #tpu.memory_space<vmem>>
    tpu.enqueue_dma source(%dma_start3A_75 : memref<38x128xf32, #tpu.memory_space<vmem>>) target(%dma_start3A_72 : memref<38x128xf32, #tpu.memory_space<hbm>>) target_semaphore(%arg6 : memref<!tpu.dma_semaphore, #tpu.memory_space<semaphore_mem>>)
    %scan3A_76 = arith.constant 0 : i32
    %scan3A_77 = arith.constant 0 : i32
    %scan3A_78 = arith.constant 38 : i32
    %scan3A_79 = arith.addi %scan3A_77, %scan3A_78 : i32
    %scan3A_80 = arith.constant 1 : i32
    scf.for %scan3A_139 = %scan3A_77 to %scan3A_79 step %scan3A_80  : i32 {
      %swap3A = arith.index_cast %scan3A_139 : i32 to index
      %swap3A_140 = arith.constant 384 : index
      %swap3A_141 = tpu.vector_load %arg5[%swap3A, %swap3A_140] {strides = array<i32>} : memref<38x512xf32, #tpu.memory_space<vmem>>, vector<16xf32>,
      tpu.vector_store %arg5[%swap3A, %swap3A_140], %broadcast_in_dim3A_3 {strides = array<i32>} : memref<38x512xf32, #tpu.memory_space<vmem>>, vector<16xf32>,
      %swap3A_142 = arith.index_cast %scan3A_139 : i32 to index
      %swap3A_143 = arith.constant 400 : index
      %swap3A_144 = tpu.vector_load %arg5[%swap3A_142, %swap3A_143] {strides = array<i32>} : memref<38x512xf32, #tpu.memory_space<vmem>>, vector<16xf32>,
      tpu.vector_store %arg5[%swap3A_142, %swap3A_143], %broadcast_in_dim3A_3 {strides = array<i32>} : memref<38x512xf32, #tpu.memory_space<vmem>>, vector<16xf32>,
      %swap3A_145 = arith.index_cast %scan3A_139 : i32 to index
      %swap3A_146 = arith.constant 416 : index
      %swap3A_147 = tpu.vector_load %arg5[%swap3A_145, %swap3A_146] {strides = array<i32>} : memref<38x512xf32, #tpu.memory_space<vmem>>, vector<16xf32>,
      tpu.vector_store %arg5[%swap3A_145, %swap3A_146], %broadcast_in_dim3A_3 {strides = array<i32>} : memref<38x512xf32, #tpu.memory_space<vmem>>, vector<16xf32>,
      %swap3A_148 = arith.index_cast %scan3A_139 : i32 to index
      %swap3A_149 = arith.constant 432 : index
      %swap3A_150 = tpu.vector_load %arg5[%swap3A_148, %swap3A_149] {strides = array<i32>} : memref<38x512xf32, #tpu.memory_space<vmem>>, vector<16xf32>,
      tpu.vector_store %arg5[%swap3A_148, %swap3A_149], %broadcast_in_dim3A_3 {strides = array<i32>} : memref<38x512xf32, #tpu.memory_space<vmem>>, vector<16xf32>,
      %swap3A_151 = arith.index_cast %scan3A_139 : i32 to index
      %swap3A_152 = arith.constant 448 : index
      %swap3A_153 = tpu.vector_load %arg5[%swap3A_151, %swap3A_152] {strides = array<i32>} : memref<38x512xf32, #tpu.memory_space<vmem>>, vector<16xf32>,
      tpu.vector_store %arg5[%swap3A_151, %swap3A_152], %broadcast_in_dim3A_3 {strides = array<i32>} : memref<38x512xf32, #tpu.memory_space<vmem>>, vector<16xf32>,
      %swap3A_154 = arith.index_cast %scan3A_139 : i32 to index
      %swap3A_155 = arith.constant 464 : index
      %swap3A_156 = tpu.vector_load %arg5[%swap3A_154, %swap3A_155] {strides = array<i32>} : memref<38x512xf32, #tpu.memory_space<vmem>>, vector<16xf32>,
      tpu.vector_store %arg5[%swap3A_154, %swap3A_155], %broadcast_in_dim3A_3 {strides = array<i32>} : memref<38x512xf32, #tpu.memory_space<vmem>>, vector<16xf32>,
      %swap3A_157 = arith.index_cast %scan3A_139 : i32 to index
      %swap3A_158 = arith.constant 480 : index
      %swap3A_159 = tpu.vector_load %arg5[%swap3A_157, %swap3A_158] {strides = array<i32>} : memref<38x512xf32, #tpu.memory_space<vmem>>, vector<16xf32>,
      tpu.vector_store %arg5[%swap3A_157, %swap3A_158], %broadcast_in_dim3A_3 {strides = array<i32>} : memref<38x512xf32, #tpu.memory_space<vmem>>, vector<16xf32>,
      %swap3A_160 = arith.index_cast %scan3A_139 : i32 to index
      %swap3A_161 = arith.constant 496 : index
      %swap3A_162 = tpu.vector_load %arg5[%swap3A_160, %swap3A_161] {strides = array<i32>} : memref<38x512xf32, #tpu.memory_space<vmem>>, vector<16xf32>,
      tpu.vector_store %arg5[%swap3A_160, %swap3A_161], %broadcast_in_dim3A_3 {strides = array<i32>} : memref<38x512xf32, #tpu.memory_space<vmem>>, vector<16xf32>,
    }
    %scan3A_81 = arith.constant 38 : i32
    %scan3A_82 = arith.constant 0 : i32
    %scan3A_83 = arith.constant 0 : i32
    %scan3A_84 = arith.constant 8 : i32
    %scan3A_85 = arith.addi %scan3A_83, %scan3A_84 : i32
    %scan3A_86 = arith.constant 1 : i32
    scf.for %scan3A_139 = %scan3A_83 to %scan3A_85 step %scan3A_86  : i32 {
      %mul3A_140 = arith.constant 16 : i32
      %mul3A_141 = arith.muli %scan3A_139, %mul3A_140 : i32
      %add3A_142 = arith.constant 384 : i32
      %add3A_143 = arith.addi %add3A_142, %mul3A_141 : i32
      %get3A = arith.index_cast %add3A_143 : i32 to index
      %get3A_144 = tpu.vector_load %arg4[%get3A] {strides = array<i32>} : memref<512xi32, #tpu.memory_space<vmem>>, vector<16xi32>,
      %add3A_145 = vector.broadcast %add3A_143 : i32 to vector<16xi32>
      %add3A_146 = arith.addi %add3A_145, %iota3A : vector<16xi32>
      tpu.vector_store_idx %arg5[%get3A_144, %add3A_146], %broadcast_in_dim3A_5 : memref<38x512xf32, #tpu.memory_space<vmem>>[vector<16xi32>, vector<16xi32>], vector<16xf32>,
    }
    %scan3A_87 = arith.constant 8 : i32
    %add3A_88 = arith.constant 384 : i32
    %add3A_89 = arith.addi %mul3A_2, %add3A_88 : i32
    %dma_start3A_90 = arith.constant 0 : i32
    %dma_start3A_91 = arith.constant 384 : i32
    %dma_start3A_92 = tpu.memref_slice %arg5[%dma_start3A_90, %dma_start3A_91] : memref<38x512xf32, #tpu.memory_space<vmem>> -> memref<38x128xf32, #tpu.memory_space<vmem>>
    %dma_start3A_93 = arith.constant 0 : i32
    %dma_start3A_94 = tpu.memref_slice %arg3[%dma_start3A_93, %add3A_89] : memref<38x16384xf32, #tpu.memory_space<hbm>> -> memref<38x128xf32, #tpu.memory_space<hbm>>
    %dma_start3A_95 = arith.constant 0 : i32
    %dma_start3A_96 = tpu.memref_slice %arg3[%dma_start3A_95, %add3A_89] : memref<38x16384xf32, #tpu.memory_space<hbm>> -> memref<38x128xf32, #tpu.memory_space<hbm>>
    %dma_start3A_97 = arith.constant 0 : i32
    %dma_start3A_98 = arith.constant 384 : i32
    %dma_start3A_99 = tpu.memref_slice %arg5[%dma_start3A_97, %dma_start3A_98] : memref<38x512xf32, #tpu.memory_space<vmem>> -> memref<38x128xf32, #tpu.memory_space<vmem>>
    tpu.enqueue_dma source(%dma_start3A_99 : memref<38x128xf32, #tpu.memory_space<vmem>>) target(%dma_start3A_96 : memref<38x128xf32, #tpu.memory_space<hbm>>) target_semaphore(%arg6 : memref<!tpu.dma_semaphore, #tpu.memory_space<semaphore_mem>>)
    %dma_wait3A = arith.constant 0 : i32
    %dma_wait3A_100 = arith.constant 0 : i32
    %dma_wait3A_101 = tpu.memref_slice %arg5[%dma_wait3A, %dma_wait3A_100] : memref<38x512xf32, #tpu.memory_space<vmem>> -> memref<38x128xf32, #tpu.memory_space<vmem>>
    %dma_wait3A_102 = arith.constant 0 : i32
    %dma_wait3A_103 = tpu.memref_slice %arg3[%dma_wait3A_102, %add3A_18] : memref<38x16384xf32, #tpu.memory_space<hbm>> -> memref<38x128xf32, #tpu.memory_space<hbm>>
    %dma_wait3A_104 = arith.constant 0 : i32
    %dma_wait3A_105 = tpu.memref_slice %arg3[%dma_wait3A_104, %add3A_18] : memref<38x16384xf32, #tpu.memory_space<hbm>> -> memref<38x128xf32, #tpu.memory_space<hbm>>
    %dma_wait3A_106 = arith.constant 0 : i32
    %dma_wait3A_107 = arith.constant 0 : i32
    %dma_wait3A_108 = tpu.memref_slice %arg5[%dma_wait3A_106, %dma_wait3A_107] : memref<38x512xf32, #tpu.memory_space<vmem>> -> memref<38x128xf32, #tpu.memory_space<vmem>>
    tpu.wait_dma2 semaphore(%arg6 : memref<!tpu.dma_semaphore, #tpu.memory_space<semaphore_mem>>) src(%dma_wait3A_108 : memref<38x128xf32, #tpu.memory_space<vmem>>) dst(%dma_wait3A_105 : memref<38x128xf32, #tpu.memory_space<hbm>>)
    %dma_wait3A_109 = arith.constant 0 : i32
    %dma_wait3A_110 = arith.constant 128 : i32
    %dma_wait3A_111 = tpu.memref_slice %arg5[%dma_wait3A_109, %dma_wait3A_110] : memref<38x512xf32, #tpu.memory_space<vmem>> -> memref<38x128xf32, #tpu.memory_space<vmem>>
    %dma_wait3A_112 = arith.constant 0 : i32
    %dma_wait3A_113 = tpu.memref_slice %arg3[%dma_wait3A_112, %add3A_41] : memref<38x16384xf32, #tpu.memory_space<hbm>> -> memref<38x128xf32, #tpu.memory_space<hbm>>
    %dma_wait3A_114 = arith.constant 0 : i32
    %dma_wait3A_115 = tpu.memref_slice %arg3[%dma_wait3A_114, %add3A_41] : memref<38x16384xf32, #tpu.memory_space<hbm>> -> memref<38x128xf32, #tpu.memory_space<hbm>>
    %dma_wait3A_116 = arith.constant 0 : i32
    %dma_wait3A_117 = arith.constant 128 : i32
    %dma_wait3A_118 = tpu.memref_slice %arg5[%dma_wait3A_116, %dma_wait3A_117] : memref<38x512xf32, #tpu.memory_space<vmem>> -> memref<38x128xf32, #tpu.memory_space<vmem>>
    tpu.wait_dma2 semaphore(%arg6 : memref<!tpu.dma_semaphore, #tpu.memory_space<semaphore_mem>>) src(%dma_wait3A_118 : memref<38x128xf32, #tpu.memory_space<vmem>>) dst(%dma_wait3A_115 : memref<38x128xf32, #tpu.memory_space<hbm>>)
    %dma_wait3A_119 = arith.constant 0 : i32
    %dma_wait3A_120 = arith.constant 256 : i32
    %dma_wait3A_121 = tpu.memref_slice %arg5[%dma_wait3A_119, %dma_wait3A_120] : memref<38x512xf32, #tpu.memory_space<vmem>> -> memref<38x128xf32, #tpu.memory_space<vmem>>
    %dma_wait3A_122 = arith.constant 0 : i32
    %dma_wait3A_123 = tpu.memref_slice %arg3[%dma_wait3A_122, %add3A_65] : memref<38x16384xf32, #tpu.memory_space<hbm>> -> memref<38x128xf32, #tpu.memory_space<hbm>>
    %dma_wait3A_124 = arith.constant 0 : i32
    %dma_wait3A_125 = tpu.memref_slice %arg3[%dma_wait3A_124, %add3A_65] : memref<38x16384xf32, #tpu.memory_space<hbm>> -> memref<38x128xf32, #tpu.memory_space<hbm>>
    %dma_wait3A_126 = arith.constant 0 : i32
    %dma_wait3A_127 = arith.constant 256 : i32
    %dma_wait3A_128 = tpu.memref_slice %arg5[%dma_wait3A_126, %dma_wait3A_127] : memref<38x512xf32, #tpu.memory_space<vmem>> -> memref<38x128xf32, #tpu.memory_space<vmem>>
    tpu.wait_dma2 semaphore(%arg6 : memref<!tpu.dma_semaphore, #tpu.memory_space<semaphore_mem>>) src(%dma_wait3A_128 : memref<38x128xf32, #tpu.memory_space<vmem>>) dst(%dma_wait3A_125 : memref<38x128xf32, #tpu.memory_space<hbm>>)
    %dma_wait3A_129 = arith.constant 0 : i32
    %dma_wait3A_130 = arith.constant 384 : i32
    %dma_wait3A_131 = tpu.memref_slice %arg5[%dma_wait3A_129, %dma_wait3A_130] : memref<38x512xf32, #tpu.memory_space<vmem>> -> memref<38x128xf32, #tpu.memory_space<vmem>>
    %dma_wait3A_132 = arith.constant 0 : i32
    %dma_wait3A_133 = tpu.memref_slice %arg3[%dma_wait3A_132, %add3A_89] : memref<38x16384xf32, #tpu.memory_space<hbm>> -> memref<38x128xf32, #tpu.memory_space<hbm>>
    %dma_wait3A_134 = arith.constant 0 : i32
    %dma_wait3A_135 = tpu.memref_slice %arg3[%dma_wait3A_134, %add3A_89] : memref<38x16384xf32, #tpu.memory_space<hbm>> -> memref<38x128xf32, #tpu.memory_space<hbm>>
    %dma_wait3A_136 = arith.constant 0 : i32
    %dma_wait3A_137 = arith.constant 384 : i32
    %dma_wait3A_138 = tpu.memref_slice %arg5[%dma_wait3A_136, %dma_wait3A_137] : memref<38x512xf32, #tpu.memory_space<vmem>> -> memref<38x128xf32, #tpu.memory_space<vmem>>
    tpu.wait_dma2 semaphore(%arg6 : memref<!tpu.dma_semaphore, #tpu.memory_space<semaphore_mem>>) src(%dma_wait3A_138 : memref<38x128xf32, #tpu.memory_space<vmem>>) dst(%dma_wait3A_135 : memref<38x128xf32, #tpu.memory_space<hbm>>)
    return
  }
}

</mosaic_0001>

<sc_bundles>
// kernel: kernel.3.cloned.1.call-start
scs
__scs_entry_jumppad:
0x0: {  	(pc) =	sbr.rel $0x88, $3  }
0x1: {  	(tag) =	ssettag $0x0;
	lr =	simm.s32 $0x1  }
0x2: {  	[smem:$0x3FA0] =	sst lr;
	_ =	strace $0xD0000000  }
0x3: {  	_ = 	snop  }
0x4: {  	_ = 	snop  }
0x5: {  	_ = 	snop  }
0x6: {  	_ = 	snop  }
0x7: {  	_ = 	snop  }
__scs_overlays_trampoline_lowered:
0x8: {  	[smem:$0x3FAF] =	sst s0  }
0x9: {  	[smem:$0x3FB0] =	sst s1  }
0xa: {  	[smem:$0x3FB1] =	sst s2  }
0xb: {  	[smem:$0x3FB2] =	sst s3  }
0xc: {  	[smem:$0x3FB3] =	sst s4  }
0xd: {  	[smem:$0x3FB4] =	sst s5  }
0xe: {  	[smem:$0x3FB5] =	sst s6  }
0xf: {  	[smem:$0x3FB6] =	sst s7  }
0x10: {  	[smem:$0x3FB7] =	sst s8  }
0x11: {  	[smem:$0x3FB8] =	sst s9;
	s0 =	simm.s32 @!p0 $0x0  }
0x12: {  	s1 =	sld [smem:$0x3F9E];
	s0 =	simm.s32 @p0 $0x1  }
0x13: {  	[smem:$0x3FB9] =	sst s0;
	s0 =	simm.s32 @!p1 $0x0  }
0x14: {  	s2 =	sld [smem:$0x3F9D];
	s0 =	simm.s32 @p1 $0x1  }
0x15: {  	[smem:$0x3FBA] =	sst s0;
	s0 =	simm.s32 @!p2 $0x0  }
0x16: {  	s3 =	sld [smem:$0x3FDB];
	s0 =	simm.s32 @p2 $0x1  }
0x17: {  	s4 =	simm.s32 $0x1BF5;
	[smem:$0x3FBC] =	sst s0  }
0x18: {  	s0 =	sld [smem:$0x3F9F];
	_ =	swait.ge [sflag:s4], $0x0  }
0x19: {  	s7 =	sld [smem:$0x3FA0]  }
0x1a: {  	s8 =	sadd.s32 $0xFFFFE003, lr  }
0x1b: {  	s9 =	sadd.s32 $0xFFFFFEF7, lr;
	s5 =	simm.s32 $0xFFFFFFFF;
	p2 =	slt.u32 s8, $0xFFFFF086  }
0x1c: {  	p1 =	slt.u32 s9, $0xF7A;
	s5 =	simm.s32 @!p2 $0x0  }
0x1d: {  	s5 =	simm.s32 @p1 $0x1;
	p0 =	seq.s32 s7, s2  }
0x1e: {  	s7 =	smul.u32 @!p0 $0xF7A, s2;
	p2 =	seq.s32 @!p0 s5, $0x0  }
0x1f: {  	s9 =	smul.u32 $0xF7A, s1;
	s8 =	simm.s32 @!p0 $0x1BF5;
	p2 =	por !p2, p0  }
0x20: {  	[sflag:s8] =	ssyncset.s32 @!p0 $0xFFFFF086;
	s6 =	sadd.s32 @!p0 s3, s7;
	s7 =	simm.s32 @!p0 $0x108  }
0x21: {  	s3 =	sadd.s32 s3, s9;
	s6 =	sadd.s32 @!p0 $0x88, s6;
	s7 =	simm.s32 @p2 $0x1082  }
0x22: {  	[simem:s7], [sflag:s8] =	dma.local @!p0 [hbm:s6], $0xF7A  }
0x23: {  	s9 =	sor.u32 $0xD0000000, s2;
	s6 =	simm.s32 $0x108;
	_ =	swait.ge @!p0 [sflag:s8], $0x0  }
0x24: {  	s3 =	sadd.s32 $0x88, s3;
	s6 =	simm.s32 @!p1 $0x1082;
	[sflag:s4] =	ssyncset.s32 $0xFFFFF086  }
0x25: {  	[simem:s6], [sflag:s4] =	dma.local [hbm:s3], $0xF7A  }
0x26: {  	[smem:$0x3FA0] =	sst s1;
	(tag) =	ssettag s2;
	_ =	strace s9  }
0x27: {  	s1 =	sld [smem:$0x3FB0]  }
0x28: {  	s2 =	sld [smem:$0x3FB1]  }
0x29: {  	s4 =	sld [smem:$0x3FB3]  }
0x2a: {  	p0 =	seq.s32 s5, $0x0;
	s5 =	sld [smem:$0x3FB4]  }
0x2b: {  	s6 =	sld [smem:$0x3FB5]  }
0x2c: {  	s7 =	sld [smem:$0x3FB6]  }
0x2d: {  	s3 =	simm.s32 $0x108;
	s8 =	sld [smem:$0x3FB7]  }
0x2e: {  	s3 =	simm.s32 @!p0 $0x1082;
	s9 =	sld [smem:$0x3FB8]  }
0x2f: {  	lr =	sadd.s32 s0, s3;
	s0 =	sld [smem:$0x3FAF]  }
0x30: {  	s3 =	sld [smem:$0x3FB2]  }
0x31: {  	[smem:$0x3FBB] =	sst s10  }
0x32: {  	s10 =	sld [smem:$0x3FB9];
	_ =	sdelay $0x3  }
0x33: {  	p0 =	seq.s32 s10, $0x1;
	s10 =	sld [smem:$0x3FBB];
	_ =	sdelay $0x3  }
0x34: {  	[smem:$0x3FBB] =	sst s10  }
0x35: {  	s10 =	sld [smem:$0x3FBA];
	_ =	sdelay $0x3  }
0x36: {  	p1 =	seq.s32 s10, $0x1;
	s10 =	sld [smem:$0x3FBB];
	_ =	sdelay $0x3  }
0x37: {  	[smem:$0x3FBB] =	sst s10  }
0x38: {  	s10 =	sld [smem:$0x3FBC]  }
0x39: {  	_ = 	snop;
	(pc) =	sbr.ind lr, $3  }
0x3a: {  	_ = 	snop  }
0x3b: {  	_ = 	snop  }
0x3c: {  	p2 =	seq.s32 s10, $0x1;
	s10 =	sld [smem:$0x3FBB]  }
0x3d: {  	_ =	shalt  }
0x3e: {  	_ =	shalt  }
0x3f: {  	_ =	shalt  }
0x40: {  	_ =	shalt  }
0x41: {  	_ =	shalt  }
0x42: {  	_ =	shalt  }
0x43: {  	_ =	shalt  }
0x44: {  	_ =	shalt  }
0x45: {  	_ =	shalt  }
0x46: {  	_ =	shalt  }
0x47: {  	_ =	shalt  }
0x48: {  	_ =	shalt  }
0x49: {  	_ =	shalt  }
0x4a: {  	_ =	shalt  }
0x4b: {  	_ =	shalt  }
0x4c: {  	_ =	shalt  }
0x4d: {  	_ =	shalt  }
0x4e: {  	_ =	shalt  }
0x4f: {  	_ =	shalt  }
0x50: {  	_ =	shalt  }
0x51: {  	_ =	shalt  }
0x52: {  	_ =	shalt  }
0x53: {  	_ =	shalt  }
0x54: {  	_ =	shalt  }
0x55: {  	_ =	shalt  }
0x56: {  	_ =	shalt  }
0x57: {  	_ =	shalt  }
0x58: {  	_ =	shalt  }
0x59: {  	_ =	shalt  }
0x5a: {  	_ =	shalt  }
0x5b: {  	_ =	shalt  }
0x5c: {  	_ =	shalt  }
0x5d: {  	_ =	shalt  }
0x5e: {  	_ =	shalt  }
0x5f: {  	_ =	shalt  }
0x60: {  	_ =	shalt  }
0x61: {  	_ =	shalt  }
0x62: {  	_ =	shalt  }
0x63: {  	_ =	shalt  }
0x64: {  	_ =	shalt  }
0x65: {  	_ =	shalt  }
0x66: {  	_ =	shalt  }
0x67: {  	_ =	shalt  }
0x68: {  	_ =	shalt  }
0x69: {  	_ =	shalt  }
0x6a: {  	_ =	shalt  }
0x6b: {  	_ =	shalt  }
0x6c: {  	_ =	shalt  }
0x6d: {  	_ =	shalt  }
0x6e: {  	_ =	shalt  }
0x6f: {  	_ =	shalt  }
0x70: {  	_ =	shalt  }
0x71: {  	_ =	shalt  }
0x72: {  	_ =	shalt  }
0x73: {  	_ =	shalt  }
0x74: {  	_ =	shalt  }
0x75: {  	_ =	shalt  }
0x76: {  	_ =	shalt  }
0x77: {  	_ =	shalt  }
0x78: {  	_ =	shalt  }
0x79: {  	_ =	shalt  }
0x7a: {  	_ =	shalt  }
0x7b: {  	_ =	shalt  }
0x7c: {  	_ =	shalt  }
0x7d: {  	_ =	shalt  }
0x7e: {  	_ =	shalt  }
0x7f: {  	_ =	shalt  }
0x80: {  	_ =	shalt  }
0x81: {  	_ =	shalt  }
0x82: {  	_ =	shalt  }
0x83: {  	_ =	shalt  }
0x84: {  	_ =	shalt  }
0x85: {  	_ =	shalt  }
0x86: {  	_ =	shalt  }
0x87: {  	_ =	shalt  }
.Lfunc_end0:
.L_simem_size_0:
called_computation_lowered:
.L_overlay_start_0:
0x88: {  	s2 =	sld [smem:$0x3FD9]  }
0x89: {  	s3 =	sld [smem:$0x3FFE];
	_ =	sdelay $0x1  }
0x8a: {  	s1 =	srdreg.scid  }
0x8b: {  	s0 =	sand.u32 $0x1, s1  }
0x8c: {  	s18 =	sshll.u32 s0, $0xA;
	s2 =	sadd.s32 s3, s2  }
0x8d: {  	s2 =	sadd.s32 s2, s18  }
0x8e: {  	[smem:$0x3FC7] =	sst s2  }
0x8f: {  	_ = 	snop  }
0x90: {  	s2 =	sld [smem:$0x3FC9]  }
0x91: {  	s19 =	sld [smem:$0x3FD0];
	(tm) =	ssettm $0x1  }
0x92: {  	s4 =	sld [smem:$0x3FFB];
	_ =	sdelay $0x3  }
0x93: {  	_ =	strace s4  }
0x94: {  	s4 =	sld [smem:$0x3FFC];
	_ =	sdelay $0x3  }
0x95: {  	_ =	strace s4  }
0x96: {  	s4 =	sld [smem:$0x3FFD];
	_ =	sdelay $0x3  }
0x97: {  	_ =	strace s4  }
0x98: {  	_ =	strace $0x8FFFFFFF  }
0x99: {  	s20 =	sld [smem:$0x3FDB];
	_ =	sdelay $0x1  }
0x9a: {  	s5 =	simm.s32 $_scs_section_size  }
0x9b: {  	s6 =	simm.s32 $_size__tile_overlayer_lowered;
	s7 =	simm.s32 $_tile_overlayer_lowered  }
0x9c: {  	s23 =	simm.s32 $0x1BFF;
	s22 =	sshll.u32 s7, $0x1;
	s4 =	sadd.s32 s5, s20  }
0x9d: {  	s8 =	simm.s32 $0x0;
	s21 =	sshll.u32 s6, $0x1;
	s6 =	sadd.s32 s22, s4  }
0x9e: {  	[timem:s8], [sflag:s23] =	dma.local [hbm:s6], s21  }
0x9f: {  	_ =	swait.ge [sflag:s23], s21  }
0xa0: {  	s5 =	ssub.s32 $0x0, s21;
	[sflag:s23] =	ssyncset.done $0x0  }
0xa1: {  	[sflag:s23] =	ssyncadd.s32 s5;
	_ =	sdelay $0x1  }
0xa2: {  	s24 =	simm.s32 $0x1B8B  }
0xa3: {  	_ =	swait.ge [sflag:s24], $0x1  }
0xa4: {  	[sflag:s24] =	ssyncset.done $0x0  }
0xa5: {  	s25 =	simm.s32 $0x1B8E;
	[sflag:s24] =	ssyncadd.s32 $0xFFFFFFFF  }
0xa6: {  	s26 =	simm.s32 $execute0_lowered;
	[smem:$0x3FD2] =	sst s25  }
0xa7: {  	s5 =	sshll.u32 s26, $0x1;
	_ =	strace $0x80000046;
	[dreg:$0x1] =	wrdreg $0xFFFFFFFF  }
0xa8: {  	s28 =	simm.s32 $_size_execute0_lowered;
	s4 =	sadd.s32 s4, s5;
	[dreg:$0x0] =	wrdreg $0x0  }
0xa9: {  	s5 =	sshll.u32 s28, $0x1;
	[dreg:$0x2] =	wrdreg s4  }
0xaa: {  	[dreg:$0x3] =	wrdreg s5  }
0xab: {  	[dreg:$0x4] =	wrdreg $0xC0  }
0xac: {  	_ =	task [dreg:s8], $0x5FFFF  }
0xad: {  	[dreg:$0x1] =	wrdreg $0xFFFFFFFF  }
0xae: {  	[dreg:$0x0] =	wrdreg $0x60  }
0xaf: {  	[dreg:$0x2] =	wrdreg s2  }
0xb0: {  	[dreg:$0x3] =	wrdreg s19  }
0xb1: {  	[dreg:$0x4] =	wrdreg $0x9  }
0xb2: {  	_ =	task.clear_ibuf [dreg:s8], $0x5FFFF;
	_ =	strace $0x90000046  }
0xb3: {  	s29 =	simm.s32 $0x9;
	_ =	strace $0x80000048  }
0xb4: {  	_ =	swait.ge [sflag:s29], $0x1  }
0xb5: {  	[sflag:s29] =	ssyncadd.s32 $0xFFFFFFFF  }
0xb6: {  	_ =	strace $0x90000048  }
0xb7: {  	_ =	sfence  }
0xb8: {  	s30 =	sld [smem:$0x0];
	_ =	sdelay $0x2  }
0xb9: {  	s31 =	sshll.u32 s1, $0xD;
	s1 =	sshrl.u32 s1, $0x2  }
0xba: {  	s3 =	sand.u32 $0x4000, s31;
	s1 =	sadd.s32 s1, s30  }
0xbb: {  	s0 =	sor.u32 s3, s0;
	s1 =	sshll.u32 s1, $0x11  }
0xbc: {  	s0 =	sor.u32 s1, s0  }
0xbd: {  	s0 =	sadd.s32 $0x8F2B, s0  }
0xbe: {  	[sflag:s0] =	ssyncadd.remote.s32 $0x1  }
0xbf: {  	_ =	sfence.sel $0xFFFF  }
0xc0: {  	[dreg:$0x0] =	wrdreg $0xFFFFFFFF;
	(pc) =	sbr.abs _section_cstart, $3  }
0xc1: {  	[dreg:$0x1] =	wrdreg $0xFFFFFFFF  }
0xc2: {  	_ =	task.clear_ibuf [dreg:s8], $0x2FFFF;
	_ =	strace $0x9FFFFFFF  }
0xc3: {  	(tm) =	ssettm $0x7FFFFFFF  }
tec
execute0_lowered:
.L_overlay_start_1:
0x0: {  	(tag) =	ssettag $0x1  }
0x1: {  	s0 =	rddreg [dreg:$0x0]  }
0x2: {  	s1 =	rddreg [dreg:$0x1];
	s3 =	srdreg.scid  }
0x3: {  	s2 =	simm.s32 $0x0;
	s4 =	stileid.u32;
	s9 =	simm.s32 $0x2  }
0x4: {  	s10 =	simm.s32 $0x200;
	s28 =	simm.s32 $0x3A00;
	s29 =	simm.s32 $0x4A00  }
0x5: {  	s30 =	simm.s32 $0xE00;
	s31 =	simm.s32 $0x1E00;
	s12 =	simm.s32 $0x4E00  }
0x6: {  	s14 =	simm.s32 $0x1;
	s16 =	simm.s32 $0x0;
	s3 =	sand.u32 $0x1, s3  }
0x7: {  	[smem:$0x7FF] =	sst s2;
	s4 =	sshll.u32 s4, $0xA;
	s5 =	sshll.u32 s3, $0x9  }
0x8: {  	_ =	strace $0x80000047;
	s6 =	ssub.s32 $0x2, s3;
	s24 =	sor.u32 s5, s4  }
0x9: {  	s25 =	sshrl.u32 s6, $0x1;
	s5 =	sshrl.u32 s24, $0x3;
	s3 =	sadd.s32 s1, s24  }
0xa: {  	s26 =	ssub.s32 s6, s25;
	s24 =	simm.s32 $0xA00;
	s25 =	simm.s32 $0x1A00  }
0xb: {  	s1 =	simm.s32 $0x3E00;
	s4 =	sadd.s32 s0, s5;
	s5 =	sadd.s32 $0x80, s3  }
0xc: {  	s6 =	sadd.s32 $0x100, s3;
	s7 =	sadd.s32 $0x180, s3;
	s8 =	smax.u32 s26, $0x1  }
0xd: {  	s11 =	sadd.s32 $0x4000, s3;
	s13 =	sadd.s32 $0x8000, s3;
	s15 =	sadd.s32 $0xC000, s3  }
0xe: {  	v0 =	vimm.f32 $0.0e+00;
	v1 =	vlaneseq.u32;
	v2 =	vimm.f32 $1.000000000e+00;
	s17 =	sadd.s32 $0x10000, s3;
	s26 =	simm.s32 $0x2A00;
	s0 =	simm.s32 $0x2E00  }
.LBB2_1:
0xf: {  	[tilespmem:s2], [sflag:$0x2] =	stream.linear.gather [hbm4b:s4+s2], $0x200, $0x38;
	[tilespmem:$0x5200] =	vst v63  }
0x10: {  	_ =	swait.ge [sflag:s9], $0x200  }
0x11: {  	s18 =	sand.u32 $0x7000, s2;
	s19 =	sand.u32 $0x380, s2;
	[sflag:s9] =	ssyncset.done $0x0  }
0x12: {  	s18 =	sor.u32 s19, s18;
	[sflag:s9] =	ssyncadd.s32 $0xFFFFFE00  }
0x13: {  	[tilespmem:s18+$0x270] =	vst v0  }
0x14: {  	[tilespmem:s18+$0x200] =	vst v0  }
0x15: {  	[tilespmem:s18+$0x210] =	vst v0  }
0x16: {  	[tilespmem:s18+$0x220] =	vst v0  }
0x17: {  	[tilespmem:s18+$0x230] =	vst v0  }
0x18: {  	s20 =	simm.s32 $0x200;
	s19 =	simm.s32 $0x80;
	[tilespmem:s18+$0x240] =	vst v0  }
0x19: {  	s21 =	sand.u32 $0x7000, s20;
	s20 =	simm.s32 $0x400;
	s22 =	sand.u32 $0x380, s19;
	[tilespmem:s18+$0x250] =	vst v0  }
.LBB2_2:
0x1a: {  	p0 =	sne.s32 s20, $0x4A00;
	[tilespmem:s18+$0x260] =	vst v0;
	s18 =	sor.u32 s22, s21  }
0x1b: {  	[tilespmem:s18+$0x270] =	vst v0  }
0x1c: {  	[tilespmem:s18+$0x200] =	vst v0  }
.Ltmp0:
0x1d: {  	[tilespmem:s18+$0x210] =	vst v0;
	(pc) =	sbr.rel @p0 .LBB2_2-.Ltmp0, $4  }
0x1e: {  	[tilespmem:s18+$0x220] =	vst v0  }
0x1f: {  	[tilespmem:s18+$0x230] =	vst v0  }
0x20: {  	s19 =	sadd.s32 $0x80, s19;
	[tilespmem:s18+$0x240] =	vst v0  }
0x21: {  	s21 =	sand.u32 $0x7000, s20;
	s20 =	sadd.s32 $0x200, s20;
	s22 =	sand.u32 $0x380, s19;
	[tilespmem:s18+$0x250] =	vst v0  }
0x22: {  	s19 =	sor.u32 s22, s21;
	[tilespmem:s18+$0x260] =	vst v0  }
0x23: {  	[tilespmem:s19+$0x270] =	vst v0  }
0x24: {  	[tilespmem:s19+$0x200] =	vst v0  }
0x25: {  	[tilespmem:s19+$0x210] =	vst v0  }
0x26: {  	[tilespmem:s19+$0x220] =	vst v0  }
0x27: {  	[tilespmem:s19+$0x230] =	vst v0  }
0x28: {  	[tilespmem:s19+$0x240] =	vst v0  }
0x29: {  	[tilespmem:s19+$0x250] =	vst v0  }
0x2a: {  	s18 =	simm.s32 $0x0;
	[tilespmem:s19+$0x260] =	vst v0  }
0x2b: {  	s20 =	simm.s32 $0x0;
	s19 =	simm.s32 $0x10;
	v3 =	vld [tilespmem:s18+$0x0]  }
.LBB2_4:
0x2c: {  	p0 =	sne.s32 s19, $0x70;
	_ =	sdelay $0x3  }
0x2d: {  	v4 =	vshll.u32 v3, $0x7  }
0x2e: {  	v3 =	vshll.u32 v3, $0x9;
	v4 =	vand.u32 $0x380, v4  }
0x2f: {  	v3 =	vand.u32 $0xFFFFF000, v3;
	v4 =	vor.u32 s18, v4;
	s18 =	smov.u32 s19  }
0x30: {  	v3 =	vor.u32 v3, v4  }
0x31: {  	v3 =	vor.u32 v1, v3;
	_ =	sdelay $0x1  }
.Ltmp1:
0x32: {  	(pc) =	sbr.rel @p0 .LBB2_4-.Ltmp1, $3  }
0x33: {  	_ =	sdelay $0x1  }
0x34: {  	s20 =	sadd.s32 $0x10, s20;
	[tilespmem:v3+s10+$0x0] =	vst.idx.msk $0xffff, v2  }
0x35: {  	s19 =	sadd.s32 $0x10, s19;
	v3 =	vld [tilespmem:s20+$0x0]  }
0x36: {  	_ =	sdelay $0x3  }
0x37: {  	v4 =	vshll.u32 v3, $0x7  }
0x38: {  	v3 =	vshll.u32 v3, $0x9;
	v4 =	vand.u32 $0x380, v4  }
0x39: {  	v3 =	vand.u32 $0xFFFFF000, v3;
	v4 =	vor.u32 s18, v4  }
0x3a: {  	v3 =	vor.u32 v3, v4  }
0x3b: {  	v3 =	vor.u32 v1, v3;
	_ =	sdelay $0x4  }
0x3c: {  	s18 =	simm.s32 $0x0;
	[tilespmem:v3+s10+$0x0] =	vst.idx.msk $0xffff, v2  }
0x3d: {  	[hbm4b:s3+s18] =	stream.linear.scatter [tilespmem:s10], [sflag:$0x1], $0x400, $0x38;
	[tilespmem:$0x5200] =	vst v63  }
0x3e: {  	s19 =	simm.s32 $0x1200  }
0x3f: {  	[hbm4b:s11+s18] =	stream.linear.scatter [tilespmem:s19], [sflag:$0x1], $0x400, $0x38;
	[tilespmem:$0x5200] =	vst v63  }
0x40: {  	s20 =	simm.s32 $0x2200  }
0x41: {  	[hbm4b:s13+s18] =	stream.linear.scatter [tilespmem:s20], [sflag:$0x1], $0x400, $0x38;
	[tilespmem:$0x5200] =	vst v63  }
0x42: {  	s21 =	simm.s32 $0x3200;
	s23 =	sand.u32 $0x7000, s18;
	s20 =	sand.u32 $0x380, s18  }
0x43: {  	[hbm4b:s15+s18] =	stream.linear.scatter [tilespmem:s21], [sflag:$0x1], $0x400, $0x38;
	[tilespmem:$0x5200] =	vst v63  }
0x44: {  	s22 =	simm.s32 $0x4200;
	s19 =	sor.u32 s20, s23  }
0x45: {  	[hbm4b:s17+s18] =	stream.linear.scatter [tilespmem:s22], [sflag:$0x1], $0x400, $0x38;
	[tilespmem:$0x5200] =	vst v63  }
0x46: {  	[tilespmem:s19+$0x670] =	vst v0  }
0x47: {  	[tilespmem:s19+$0x600] =	vst v0  }
0x48: {  	[tilespmem:s19+$0x610] =	vst v0  }
0x49: {  	[tilespmem:s19+$0x620] =	vst v0  }
0x4a: {  	[tilespmem:s19+$0x630] =	vst v0  }
0x4b: {  	s20 =	simm.s32 $0x80;
	s21 =	simm.s32 $0x200;
	[tilespmem:s19+$0x640] =	vst v0  }
0x4c: {  	s23 =	sand.u32 $0x380, s20;
	s22 =	sand.u32 $0x7000, s21;
	s21 =	simm.s32 $0x400;
	[tilespmem:s19+$0x650] =	vst v0  }
.LBB2_6:
0x4d: {  	p0 =	sne.s32 s21, $0x4A00;
	[tilespmem:s19+$0x660] =	vst v0;
	s19 =	sor.u32 s23, s22  }
0x4e: {  	[tilespmem:s19+$0x670] =	vst v0  }
0x4f: {  	[tilespmem:s19+$0x600] =	vst v0  }
.Ltmp2:
0x50: {  	[tilespmem:s19+$0x610] =	vst v0;
	(pc) =	sbr.rel @p0 .LBB2_6-.Ltmp2, $4  }
0x51: {  	[tilespmem:s19+$0x620] =	vst v0  }
0x52: {  	[tilespmem:s19+$0x630] =	vst v0  }
0x53: {  	s20 =	sadd.s32 $0x80, s20;
	[tilespmem:s19+$0x640] =	vst v0  }
0x54: {  	s22 =	sand.u32 $0x7000, s21;
	s21 =	sadd.s32 $0x200, s21;
	s23 =	sand.u32 $0x380, s20;
	[tilespmem:s19+$0x650] =	vst v0  }
0x55: {  	s20 =	sor.u32 s23, s22;
	[tilespmem:s19+$0x660] =	vst v0  }
0x56: {  	[tilespmem:s20+$0x670] =	vst v0  }
0x57: {  	[tilespmem:s20+$0x600] =	vst v0  }
0x58: {  	[tilespmem:s20+$0x610] =	vst v0  }
0x59: {  	[tilespmem:s20+$0x620] =	vst v0  }
0x5a: {  	[tilespmem:s20+$0x630] =	vst v0  }
0x5b: {  	[tilespmem:s20+$0x640] =	vst v0  }
0x5c: {  	[tilespmem:s20+$0x650] =	vst v0  }
0x5d: {  	s19 =	simm.s32 $0x80;
	[tilespmem:s20+$0x660] =	vst v0  }
0x5e: {  	s20 =	simm.s32 $0x10;
	v3 =	vld [tilespmem:s19+$0x0]  }
.LBB2_8:
0x5f: {  	p0 =	sne.s32 s20, $0x70;
	_ =	sdelay $0x3  }
0x60: {  	v4 =	vor.u32 s18, v1;
	s18 =	smov.u32 s20;
	v5 =	vshll.u32 v3, $0x9  }
0x61: {  	v4 =	vand.u32 $0x7F, v4;
	v3 =	vshll.u32 v3, $0x7;
	v5 =	vand.u32 $0xFFFFF000, v5  }
0x62: {  	v3 =	vand.u32 $0x380, v3;
	v4 =	vor.u32 v5, v4  }
0x63: {  	v3 =	vor.u32 v3, v4  }
0x64: {  	v3 =	vor.u32 $0x400, v3;
	_ =	sdelay $0x1  }
.Ltmp3:
0x65: {  	(pc) =	sbr.rel @p0 .LBB2_8-.Ltmp3, $3  }
0x66: {  	_ =	sdelay $0x1  }
0x67: {  	s19 =	sadd.s32 $0x10, s19;
	[tilespmem:v3+s10+$0x0] =	vst.idx.msk $0xffff, v2  }
0x68: {  	s20 =	sadd.s32 $0x10, s20;
	v3 =	vld [tilespmem:s19+$0x0]  }
0x69: {  	_ =	sdelay $0x3  }
0x6a: {  	v4 =	vor.u32 s18, v1;
	v5 =	vshll.u32 v3, $0x9  }
0x6b: {  	v4 =	vand.u32 $0x7F, v4;
	v3 =	vshll.u32 v3, $0x7;
	v5 =	vand.u32 $0xFFFFF000, v5  }
0x6c: {  	v3 =	vand.u32 $0x380, v3;
	v4 =	vor.u32 v5, v4  }
0x6d: {  	v3 =	vor.u32 v3, v4  }
0x6e: {  	v3 =	vor.u32 $0x400, v3;
	_ =	sdelay $0x4  }
0x6f: {  	s18 =	simm.s32 $0x0;
	s19 =	simm.s32 $0x600;
	[tilespmem:v3+s10+$0x0] =	vst.idx.msk $0xffff, v2  }
0x70: {  	[hbm4b:s5+s18] =	stream.linear.scatter [tilespmem:s19], [sflag:$0x1], $0x400, $0x38;
	[tilespmem:$0x5200] =	vst v63  }
0x71: {  	s23 =	sadd.s32 $0x4000, s5;
	s20 =	simm.s32 $0x1600  }
0x72: {  	[hbm4b:s23+s18] =	stream.linear.scatter [tilespmem:s20], [sflag:$0x1], $0x400, $0x38;
	[tilespmem:$0x5200] =	vst v63  }
0x73: {  	s21 =	simm.s32 $0x2600;
	s20 =	sadd.s32 $0x8000, s5  }
0x74: {  	[hbm4b:s20+s18] =	stream.linear.scatter [tilespmem:s21], [sflag:$0x1], $0x400, $0x38;
	[tilespmem:$0x5200] =	vst v63  }
0x75: {  	s22 =	sadd.s32 $0xC000, s5;
	s23 =	simm.s32 $0x3600  }
0x76: {  	[hbm4b:s22+s18] =	stream.linear.scatter [tilespmem:s23], [sflag:$0x1], $0x400, $0x38;
	[tilespmem:$0x5200] =	vst v63  }
0x77: {  	s22 =	sand.u32 $0x7000, s18;
	s23 =	sand.u32 $0x380, s18  }
0x78: {  	s20 =	sadd.s32 $0x10000, s5;
	s21 =	simm.s32 $0x4600;
	s19 =	sor.u32 s23, s22  }
0x79: {  	[hbm4b:s20+s18] =	stream.linear.scatter [tilespmem:s21], [sflag:$0x1], $0x400, $0x38;
	[tilespmem:$0x5200] =	vst v63  }
0x7a: {  	[tilespmem:s19+$0xA70] =	vst v0  }
0x7b: {  	[tilespmem:s19+$0xA00] =	vst v0  }
0x7c: {  	[tilespmem:s19+$0xA10] =	vst v0  }
0x7d: {  	[tilespmem:s19+$0xA20] =	vst v0  }
0x7e: {  	[tilespmem:s19+$0xA30] =	vst v0  }
0x7f: {  	s21 =	simm.s32 $0x200;
	s20 =	simm.s32 $0x80;
	[tilespmem:s19+$0xA40] =	vst v0  }
0x80: {  	s22 =	sand.u32 $0x7000, s21;
	s23 =	sand.u32 $0x380, s20;
	s21 =	simm.s32 $0x400;
	[tilespmem:s19+$0xA50] =	vst v0  }
.LBB2_10:
0x81: {  	p0 =	sne.s32 s21, $0x4A00;
	[tilespmem:s19+$0xA60] =	vst v0;
	s19 =	sor.u32 s23, s22  }
0x82: {  	[tilespmem:s19+$0xA70] =	vst v0  }
0x83: {  	[tilespmem:s19+$0xA00] =	vst v0  }
.Ltmp4:
0x84: {  	[tilespmem:s19+$0xA10] =	vst v0;
	(pc) =	sbr.rel @p0 .LBB2_10-.Ltmp4, $4  }
0x85: {  	[tilespmem:s19+$0xA20] =	vst v0  }
0x86: {  	[tilespmem:s19+$0xA30] =	vst v0  }
0x87: {  	s20 =	sadd.s32 $0x80, s20;
	[tilespmem:s19+$0xA40] =	vst v0  }
0x88: {  	s22 =	sand.u32 $0x7000, s21;
	s21 =	sadd.s32 $0x200, s21;
	s23 =	sand.u32 $0x380, s20;
	[tilespmem:s19+$0xA50] =	vst v0  }
0x89: {  	s20 =	sor.u32 s23, s22;
	[tilespmem:s19+$0xA60] =	vst v0  }
0x8a: {  	[tilespmem:s20+$0xA70] =	vst v0  }
0x8b: {  	[tilespmem:s20+$0xA00] =	vst v0  }
0x8c: {  	[tilespmem:s20+$0xA10] =	vst v0  }
0x8d: {  	[tilespmem:s20+$0xA20] =	vst v0  }
0x8e: {  	[tilespmem:s20+$0xA30] =	vst v0  }
0x8f: {  	[tilespmem:s20+$0xA40] =	vst v0  }
0x90: {  	[tilespmem:s20+$0xA50] =	vst v0  }
0x91: {  	s19 =	simm.s32 $0x100;
	[tilespmem:s20+$0xA60] =	vst v0  }
0x92: {  	s20 =	simm.s32 $0x10;
	v3 =	vld [tilespmem:s19+$0x0]  }
.LBB2_12:
0x93: {  	p0 =	sne.s32 s20, $0x70;
	_ =	sdelay $0x3  }
0x94: {  	v4 =	vor.u32 s18, v1;
	s18 =	smov.u32 s20;
	v5 =	vshll.u32 v3, $0x9  }
0x95: {  	v4 =	vand.u32 $0x7F, v4;
	v3 =	vshll.u32 v3, $0x7;
	v5 =	vand.u32 $0xFFFFF000, v5  }
0x96: {  	v3 =	vand.u32 $0x380, v3;
	v4 =	vor.u32 v5, v4  }
0x97: {  	v3 =	vor.u32 v3, v4  }
0x98: {  	v3 =	vor.u32 $0x800, v3;
	_ =	sdelay $0x1  }
.Ltmp5:
0x99: {  	(pc) =	sbr.rel @p0 .LBB2_12-.Ltmp5, $3  }
0x9a: {  	_ =	sdelay $0x1  }
0x9b: {  	s19 =	sadd.s32 $0x10, s19;
	[tilespmem:v3+s10+$0x0] =	vst.idx.msk $0xffff, v2  }
0x9c: {  	s20 =	sadd.s32 $0x10, s20;
	v3 =	vld [tilespmem:s19+$0x0]  }
0x9d: {  	_ =	sdelay $0x3  }
0x9e: {  	v4 =	vor.u32 s18, v1;
	v5 =	vshll.u32 v3, $0x9  }
0x9f: {  	v4 =	vand.u32 $0x7F, v4;
	v3 =	vshll.u32 v3, $0x7;
	v5 =	vand.u32 $0xFFFFF000, v5  }
0xa0: {  	v3 =	vand.u32 $0x380, v3;
	v4 =	vor.u32 v5, v4  }
0xa1: {  	v3 =	vor.u32 v3, v4  }
0xa2: {  	v3 =	vor.u32 $0x800, v3;
	_ =	sdelay $0x4  }
0xa3: {  	s18 =	simm.s32 $0x0;
	[tilespmem:v3+s10+$0x0] =	vst.idx.msk $0xffff, v2  }
0xa4: {  	[hbm4b:s6+s18] =	stream.linear.scatter [tilespmem:s24], [sflag:$0x1], $0x400, $0x38;
	[tilespmem:$0x5200] =	vst v63  }
0xa5: {  	s19 =	sadd.s32 $0x4000, s6  }
0xa6: {  	[hbm4b:s19+s18] =	stream.linear.scatter [tilespmem:s25], [sflag:$0x1], $0x400, $0x38;
	[tilespmem:$0x5200] =	vst v63  }
0xa7: {  	s20 =	sadd.s32 $0x8000, s6  }
0xa8: {  	[hbm4b:s20+s18] =	stream.linear.scatter [tilespmem:s26], [sflag:$0x1], $0x400, $0x38;
	[tilespmem:$0x5200] =	vst v63  }
0xa9: {  	s21 =	sadd.s32 $0xC000, s6;
	s23 =	sand.u32 $0x7000, s18;
	s20 =	sand.u32 $0x380, s18  }
0xaa: {  	[hbm4b:s21+s18] =	stream.linear.scatter [tilespmem:s28], [sflag:$0x1], $0x400, $0x38;
	[tilespmem:$0x5200] =	vst v63  }
0xab: {  	s22 =	sadd.s32 $0x10000, s6;
	s19 =	sor.u32 s20, s23  }
0xac: {  	[hbm4b:s22+s18] =	stream.linear.scatter [tilespmem:s29], [sflag:$0x1], $0x400, $0x38;
	[tilespmem:$0x5200] =	vst v63  }
0xad: {  	[tilespmem:s19+$0xE70] =	vst v0  }
0xae: {  	[tilespmem:s19+$0xE00] =	vst v0  }
0xaf: {  	[tilespmem:s19+$0xE10] =	vst v0  }
0xb0: {  	[tilespmem:s19+$0xE20] =	vst v0  }
0xb1: {  	[tilespmem:s19+$0xE30] =	vst v0  }
0xb2: {  	s20 =	simm.s32 $0x80;
	s21 =	simm.s32 $0x200;
	[tilespmem:s19+$0xE40] =	vst v0  }
0xb3: {  	s23 =	sand.u32 $0x380, s20;
	s22 =	sand.u32 $0x7000, s21;
	s21 =	simm.s32 $0x400;
	[tilespmem:s19+$0xE50] =	vst v0  }
.LBB2_14:
0xb4: {  	p0 =	sne.s32 s21, $0x4A00;
	[tilespmem:s19+$0xE60] =	vst v0;
	s19 =	sor.u32 s23, s22  }
0xb5: {  	[tilespmem:s19+$0xE70] =	vst v0  }
0xb6: {  	[tilespmem:s19+$0xE00] =	vst v0  }
.Ltmp6:
0xb7: {  	[tilespmem:s19+$0xE10] =	vst v0;
	(pc) =	sbr.rel @p0 .LBB2_14-.Ltmp6, $4  }
0xb8: {  	[tilespmem:s19+$0xE20] =	vst v0  }
0xb9: {  	[tilespmem:s19+$0xE30] =	vst v0  }
0xba: {  	s20 =	sadd.s32 $0x80, s20;
	[tilespmem:s19+$0xE40] =	vst v0  }
0xbb: {  	s22 =	sand.u32 $0x7000, s21;
	s21 =	sadd.s32 $0x200, s21;
	s23 =	sand.u32 $0x380, s20;
	[tilespmem:s19+$0xE50] =	vst v0  }
0xbc: {  	s20 =	sor.u32 s23, s22;
	[tilespmem:s19+$0xE60] =	vst v0  }
0xbd: {  	[tilespmem:s20+$0xE70] =	vst v0  }
0xbe: {  	[tilespmem:s20+$0xE00] =	vst v0  }
0xbf: {  	[tilespmem:s20+$0xE10] =	vst v0  }
0xc0: {  	[tilespmem:s20+$0xE20] =	vst v0  }
0xc1: {  	[tilespmem:s20+$0xE30] =	vst v0  }
0xc2: {  	[tilespmem:s20+$0xE40] =	vst v0  }
0xc3: {  	[tilespmem:s20+$0xE50] =	vst v0  }
0xc4: {  	s19 =	simm.s32 $0x180;
	[tilespmem:s20+$0xE60] =	vst v0  }
0xc5: {  	s20 =	simm.s32 $0x10;
	v3 =	vld [tilespmem:s19+$0x0]  }
.LBB2_16:
0xc6: {  	p0 =	sne.s32 s20, $0x70;
	_ =	sdelay $0x3  }
0xc7: {  	v4 =	vor.u32 s18, v1;
	s18 =	smov.u32 s20;
	v5 =	vshll.u32 v3, $0x9  }
0xc8: {  	v4 =	vand.u32 $0x7F, v4;
	v3 =	vshll.u32 v3, $0x7;
	v5 =	vand.u32 $0xFFFFF000, v5  }
0xc9: {  	v3 =	vand.u32 $0x380, v3;
	v4 =	vor.u32 v5, v4  }
0xca: {  	v3 =	vor.u32 v3, v4  }
0xcb: {  	v3 =	vor.u32 $0xC00, v3;
	_ =	sdelay $0x1  }
.Ltmp7:
0xcc: {  	(pc) =	sbr.rel @p0 .LBB2_16-.Ltmp7, $3  }
0xcd: {  	_ =	sdelay $0x1  }
0xce: {  	s19 =	sadd.s32 $0x10, s19;
	[tilespmem:v3+s10+$0x0] =	vst.idx.msk $0xffff, v2  }
0xcf: {  	s20 =	sadd.s32 $0x10, s20;
	v3 =	vld [tilespmem:s19+$0x0]  }
0xd0: {  	_ =	sdelay $0x3  }
0xd1: {  	v4 =	vor.u32 s18, v1;
	v5 =	vshll.u32 v3, $0x9  }
0xd2: {  	v4 =	vand.u32 $0x7F, v4;
	v3 =	vshll.u32 v3, $0x7;
	v5 =	vand.u32 $0xFFFFF000, v5  }
0xd3: {  	v3 =	vand.u32 $0x380, v3;
	v4 =	vor.u32 v5, v4  }
0xd4: {  	v3 =	vor.u32 v3, v4  }
0xd5: {  	v3 =	vor.u32 $0xC00, v3;
	_ =	sdelay $0x4  }
0xd6: {  	[tilespmem:v3+s10+$0x0] =	vst.idx.msk $0xffff, v2  }
0xd7: {  	[hbm4b:s7+s2] =	stream.linear.scatter [tilespmem:s30], [sflag:$0x1], $0x400, $0x38;
	[tilespmem:$0x5200] =	vst v63  }
0xd8: {  	s20 =	sadd.s32 $0x4000, s7  }
0xd9: {  	[hbm4b:s20+s2] =	stream.linear.scatter [tilespmem:s31], [sflag:$0x1], $0x400, $0x38;
	[tilespmem:$0x5200] =	vst v63  }
0xda: {  	s21 =	sadd.s32 $0x8000, s7  }
0xdb: {  	[hbm4b:s21+s2] =	stream.linear.scatter [tilespmem:s0], [sflag:$0x1], $0x400, $0x38;
	[tilespmem:$0x5200] =	vst v63  }
0xdc: {  	s22 =	sadd.s32 $0xC000, s7  }
0xdd: {  	[hbm4b:s22+s2] =	stream.linear.scatter [tilespmem:s1], [sflag:$0x1], $0x400, $0x38;
	[tilespmem:$0x5200] =	vst v63  }
0xde: {  	s23 =	sadd.s32 $0x10000, s7  }
0xdf: {  	[hbm4b:s23+s2] =	stream.linear.scatter [tilespmem:s12], [sflag:$0x1], $0x400, $0x38;
	[tilespmem:$0x5200] =	vst v63  }
0xe0: {  	_ =	swait.ge [sflag:s14], $0x1400  }
0xe1: {  	[sflag:s14] =	ssyncset.done $0x0  }
0xe2: {  	[sflag:s14] =	ssyncadd.s32 $0xFFFFEC00  }
0xe3: {  	_ =	swait.ge [sflag:s14], $0x1400  }
0xe4: {  	[sflag:s14] =	ssyncset.done $0x0  }
0xe5: {  	s16 =	sadd.s32 $0x1, s16;
	[sflag:s14] =	ssyncadd.s32 $0xFFFFEC00  }
0xe6: {  	p0 =	sne.s32 s16, s8;
	_ =	swait.ge [sflag:s14], $0x1400  }
.Ltmp8:
0xe7: {  	[sflag:s14] =	ssyncset.done $0x0;
	(pc) =	sbr.rel @p0 .LBB2_1-.Ltmp8, $4  }
0xe8: {  	[sflag:s14] =	ssyncadd.s32 $0xFFFFEC00  }
0xe9: {  	_ =	swait.ge [sflag:s14], $0x1400  }
0xea: {  	[sflag:s14] =	ssyncset.done $0x0  }
0xeb: {  	[sflag:s14] =	ssyncadd.s32 $0xFFFFEC00  }
0xec: {  	_ =	sfence.sel $0x180000  }
0xed: {  	[bflag:$0x0] =	sbarrier.arrive $0xFFFF  }
0xee: {  	_ =	strace $0x90000047  }
0xef: {  	s0 =	stileid.u32;
	[bflag:$0x2] =	sbarrier.arrive $0xFFFF  }
0xf0: {  	p0 =	sne.s32 s0, $0x0;
	s0 =	rddreg [dreg:$0x2]  }
0xf1: {  	s0 =	sadd.s32 @!p0 $0x100000, s0  }
0xf2: {  	[sflag:s0] =	ssyncadd.tile.s32 @!p0 $0x1;
	_ =	shalt  }
.Lfunc_end2:
_tile_overlayer_lowered:
.L_overlay_start_2:
0xf3: {  	(tag) =	ssettag $0x2  }
0xf4: {  	s0 =	rddreg [dreg:$0x0];
	s2 =	stileid.u32  }
0xf5: {  	s1 =	rddreg [dreg:$0x1];
	p0 =	sne.s32 s2, $0x0  }
0xf6: {  	s3 =	rddreg [dreg:$0x2];
	[bflag:$0x3] =	sbarrier.arrive $0xFFFF;
	s2 =	simm.s32 @!p0 $0x1C02  }
0xf7: {  	[timem:s3], [sflag:s2] =	dma.local @!p0 [hbm:s0], s1  }
0xf8: {  	s0 =	simm.s32 @!p0 $0x2  }
0xf9: {  	_ =	swait.ge @!p0 [sflag:s0], s1  }
0xfa: {  	s1 =	ssub.s32 @!p0 $0x0, s1;
	[sflag:s0] =	ssyncset.done @!p0 $0x0  }
0xfb: {  	[sflag:s0] =	ssyncadd.s32 @!p0 s1  }
0xfc: {  	[bflag:$0x3] =	sbarrier.arrive $0xFFFF  }
0xfd: {  	_ =	shalt  }

</sc_bundles>
